<compile_context>
chip_gen: v7x
topology: tpu7x:2x2x1
jax: 0.10.2.dev20260603
libtpu: 0.0.44.dev20260713+nightly
codegen_flags: <defaults>
</compile_context>

<pallas_src>
import functools

import jax
import jax.numpy as jnp
from jax.experimental import pallas as pl
from jax.experimental.pallas import tpu as pltpu

N_ROWS = 8192
IN_DIM = 769
H = 64
A = 32
S = 64
OUT_W = A * S

TILE = 256
GRID = N_ROWS // TILE


def _fused_body(x_ref, w1_ref, b1_ref, w2_ref, b2_ref, w3_ref, m4_ref, o_ref):
    xt = x_ref[...]
    g = xt[:, IN_DIM - 1:IN_DIM]
    ml = ((g >= 0.0) & (g < 0.5)).astype(jnp.float32)
    mm = ((g >= 0.5) & (g < 0.75)).astype(jnp.float32)
    mh = ((g >= 0.75) & (g <= 1.0)).astype(jnp.float32)

    h1 = jnp.dot(xt.astype(jnp.bfloat16), w1_ref[...],
                 preferred_element_type=jnp.float32) + b1_ref[...]
    h1 = jnp.maximum(h1, 0.0)
    h1m = jnp.concatenate(
        [h1[:, 0:H] * ml, h1[:, H:2 * H] * mm, h1[:, 2 * H:3 * H] * mh], axis=1)

    h2 = jnp.dot(h1m.astype(jnp.bfloat16), w2_ref[...],
                 preferred_element_type=jnp.float32) + b2_ref[...]
    h2 = jnp.maximum(h2, 0.0)

    zeros_pad = jnp.zeros((TILE, 256 - 3 * H - 3), jnp.float32)
    aug = jnp.concatenate(
        [h2[:, 0:H] * ml, h2[:, H:2 * H] * mm, h2[:, 2 * H:3 * H] * mh,
         ml, mm, mh, zeros_pad], axis=1)

    y = jnp.dot(aug.astype(jnp.bfloat16), w3_ref[...],
                preferred_element_type=jnp.float32)
    y = jnp.maximum(y, 0.0)

    y8 = y.reshape(TILE * 8, 256)
    o_ref[...] = jnp.dot(y8.astype(jnp.bfloat16), m4_ref[...],
                         preferred_element_type=jnp.float32)


@functools.partial(jax.jit, static_argnames=())
def _prep_and_run(x, lW1, lb1, lW2, lb2, lW3, lb3,
                  mW1, mb1, mW2, mb2, mW3, mb3,
                  hW1, hb1, hW2, hb2, hW3, hb3):
    f32 = jnp.float32
    bf16 = jnp.bfloat16

    w1c = jnp.concatenate([lW1, mW1, hW1], axis=1).astype(bf16)
    b1c = jnp.concatenate([lb1, mb1, hb1]).reshape(1, 3 * H).astype(f32)

    zb = jnp.zeros((H, H), f32)
    w2bd = jnp.block([[lW2, zb, zb], [zb, mW2, zb], [zb, zb, hW2]]).astype(bf16)
    b2c = jnp.concatenate([lb2, mb2, hb2]).reshape(1, 3 * H).astype(f32)

    w3v = jnp.concatenate(
        [lW3, mW3, hW3, lb3.reshape(1, OUT_W), mb3.reshape(1, OUT_W),
         hb3.reshape(1, OUT_W), jnp.zeros((256 - 3 * H - 3, OUT_W), f32)],
        axis=0).astype(bf16)

    jj = jax.lax.broadcasted_iota(jnp.int32, (256, 256), 0)
    kk = jax.lax.broadcasted_iota(jnp.int32, (256, 256), 1)
    m4 = (((jj // S) == (kk // S)) & ((jj % S) + (kk % S) <= S - 1)).astype(bf16)

    out = pl.pallas_call(
        _fused_body,
        grid=(GRID,),
        in_specs=[
            pl.BlockSpec((TILE, IN_DIM), lambda t: (t, 0)),
            pl.BlockSpec((IN_DIM, 3 * H), lambda t: (0, 0)),
            pl.BlockSpec((1, 3 * H), lambda t: (0, 0)),
            pl.BlockSpec((3 * H, 3 * H), lambda t: (0, 0)),
            pl.BlockSpec((1, 3 * H), lambda t: (0, 0)),
            pl.BlockSpec((256, OUT_W), lambda t: (0, 0)),
            pl.BlockSpec((256, 256), lambda t: (0, 0)),
        ],
        out_specs=pl.BlockSpec((TILE * 8, 256), lambda t: (t, 0)),
        out_shape=jax.ShapeDtypeStruct((N_ROWS * 8, 256), f32),
    )(x, w1c, b1c, w2bd, b2c, w3v, m4)
    return out.reshape(N_ROWS, A, S)


def kernel(x, lW1, lb1, lW2, lb2, lW3, lb3, mW1, mb1, mW2, mb2, mW3, mb3,
           hW1, hb1, hW2, hb2, hW3, hb3):
    return _prep_and_run(x, lW1, lb1, lW2, lb2, lW3, lb3,
                         mW1, mb1, mW2, mb2, mW3, mb3,
                         hW1, hb1, hW2, hb2, hW3, hb3)

# --- scband reference (transcript-rebuilt; emitter-appended) ---
"""Pipeline reference for scband-dqnnet-multgam-inv-36601711296587 (READ-ONLY COPY).

The authoritative reference and input builder live on the scoring server;
editing this copy changes nothing except your own understanding.
"""

import jax, jax.numpy as jnp
import numpy as np

IN_DIM = 768 + 1
A = 32
S = 64

def _net(x, W1, b1, W2, b2, W3, b3):
    h = jax.nn.relu(x @ W1 + b1)
    h = jax.nn.relu(h @ W2 + b2)
    h = jax.nn.relu(h @ W3 + b3)
    h = h.reshape(-1, A, S)
    h = jnp.cumsum(h, axis=2)
    h = jnp.flip(h, axis=2)
    return h

def setup_inputs(seed: int = 0):
    key = jax.random.key(seed)
    ks = jax.random.split(key, 16)
    x = jax.random.uniform(ks[0], (8192, IN_DIM), dtype=jnp.float32)
    d = {"x": x}
    i = 1
    for p in ["l", "m", "h"]:
        d[p + "W1"] = jax.random.normal(ks[i], (IN_DIM, 64), dtype=jnp.float32) * 0.03; i += 1
        d[p + "b1"] = jnp.zeros((64,), jnp.float32)
        d[p + "W2"] = jax.random.normal(ks[i], (64, 64), dtype=jnp.float32) * 0.1; i += 1
        d[p + "b2"] = jnp.zeros((64,), jnp.float32)
        d[p + "W3"] = jax.random.normal(ks[i], (64, A * S), dtype=jnp.float32) * 0.1; i += 1
        d[p + "b3"] = jnp.zeros((A * S,), jnp.float32)
    return d

def reference(x, lW1, lb1, lW2, lb2, lW3, lb3, mW1, mb1, mW2, mb2, mW3, mb3, hW1, hb1, hW2, hb2, hW3, hb3):
    g = x[:, -1]
    low = (g >= 0.0) & (g < 0.5)
    med = (g >= 0.5) & (g < 0.75)
    high = (g >= 0.75) & (g <= 1.0)
    lo = _net(x, lW1, lb1, lW2, lb2, lW3, lb3)
    mo = _net(x, mW1, mb1, mW2, mb2, mW3, mb3)
    ho = _net(x, hW1, hb1, hW2, hb2, hW3, hb3)
    z = jnp.zeros_like(lo)
    res = (jnp.where(low[:, None, None], lo, z)
           + jnp.where(med[:, None, None], mo, z)
           + jnp.where(high[:, None, None], ho, z))
    return res

if __name__ == "__main__":
    import jax
    _d = setup_inputs()
    print(jax.jit(kernel)(*tuple(_d.values())))

</pallas_src>

<mosaic_0001>
module attributes {stable_mosaic.version = 14 : i64} {
  func.func @_fused_body(%arg0: i32, %arg1: memref<256x769xf32, #tpu.memory_space<vmem>>, %arg2: memref<769x192xbf16, #tpu.memory_space<vmem>>, %arg3: memref<1x192xf32, #tpu.memory_space<vmem>>, %arg4: memref<192x192xbf16, #tpu.memory_space<vmem>>, %arg5: memref<1x192xf32, #tpu.memory_space<vmem>>, %arg6: memref<256x2048xbf16, #tpu.memory_space<vmem>>, %arg7: memref<256x256xbf16, #tpu.memory_space<vmem>>, %arg8: memref<2048x256xf32, #tpu.memory_space<vmem>>) attributes {dimension_semantics = [#tpu.dimension_semantics<arbitrary>], iteration_bounds = array<i64: 32>, scalar_prefetch = 0 : i64, scratch_operands = 0 : i64, tpu.core_type = #tpu.core_type<tc>, window_params = [{transform_indices = @transform_0, window_bounds = array<i64: 256, 769>}, {pipeline_mode = #tpu.pipeline_mode<synchronous>, transform_indices = @transform_1, window_bounds = array<i64: 769, 192>}, {pipeline_mode = #tpu.pipeline_mode<synchronous>, transform_indices = @transform_2, window_bounds = array<i64: 1, 192>}, {pipeline_mode = #tpu.pipeline_mode<synchronous>, transform_indices = @transform_3, window_bounds = array<i64: 192, 192>}, {pipeline_mode = #tpu.pipeline_mode<synchronous>, transform_indices = @transform_4, window_bounds = array<i64: 1, 192>}, {pipeline_mode = #tpu.pipeline_mode<synchronous>, transform_indices = @transform_5, window_bounds = array<i64: 256, 2048>}, {pipeline_mode = #tpu.pipeline_mode<synchronous>, transform_indices = @transform_6, window_bounds = array<i64: 256, 256>}, {transform_indices = @transform_7, window_bounds = array<i64: 2048, 256>}]} {
    %get3A = arith.constant 0 : index
    %get3A_0 = arith.constant 0 : index
    %get3A_1 = vector.load %arg1[%get3A, %get3A_0] : memref<256x769xf32, #tpu.memory_space<vmem>>, vector<256x769xf32>
    %slice3A = vector.extract_strided_slice %get3A_1 {offsets = [0, 768], sizes = [256, 1], strides = [1, 1]} : vector<256x769xf32> to vector<256x1xf32>
    %ge3A = arith.constant 0.000000e+00 : f32
    %ge3A_2 = vector.broadcast %ge3A : f32 to vector<256x1xf32>
    %ge3A_3 = arith.cmpf oge, %slice3A, %ge3A_2 : vector<256x1xf32>
    %lt3A = arith.constant 5.000000e-01 : f32
    %lt3A_4 = vector.broadcast %lt3A : f32 to vector<256x1xf32>
    %lt3A_5 = arith.cmpf olt, %slice3A, %lt3A_4 : vector<256x1xf32>
    %and3A = arith.andi %ge3A_3, %lt3A_5 : vector<256x1xi1>
    %convert_element_type3A = arith.extui %and3A : vector<256x1xi1> to vector<256x1xi32>
    %convert_element_type3A_6 = arith.sitofp %convert_element_type3A : vector<256x1xi32> to vector<256x1xf32>
    %ge3A_7 = arith.constant 5.000000e-01 : f32
    %ge3A_8 = vector.broadcast %ge3A_7 : f32 to vector<256x1xf32>
    %ge3A_9 = arith.cmpf oge, %slice3A, %ge3A_8 : vector<256x1xf32>
    %lt3A_10 = arith.constant 7.500000e-01 : f32
    %lt3A_11 = vector.broadcast %lt3A_10 : f32 to vector<256x1xf32>
    %lt3A_12 = arith.cmpf olt, %slice3A, %lt3A_11 : vector<256x1xf32>
    %and3A_13 = arith.andi %ge3A_9, %lt3A_12 : vector<256x1xi1>
    %convert_element_type3A_14 = arith.extui %and3A_13 : vector<256x1xi1> to vector<256x1xi32>
    %convert_element_type3A_15 = arith.sitofp %convert_element_type3A_14 : vector<256x1xi32> to vector<256x1xf32>
    %ge3A_16 = arith.constant 7.500000e-01 : f32
    %ge3A_17 = vector.broadcast %ge3A_16 : f32 to vector<256x1xf32>
    %ge3A_18 = arith.cmpf oge, %slice3A, %ge3A_17 : vector<256x1xf32>
    %le3A = arith.constant 1.000000e+00 : f32
    %le3A_19 = vector.broadcast %le3A : f32 to vector<256x1xf32>
    %le3A_20 = arith.cmpf ole, %slice3A, %le3A_19 : vector<256x1xf32>
    %and3A_21 = arith.andi %ge3A_18, %le3A_20 : vector<256x1xi1>
    %convert_element_type3A_22 = arith.extui %and3A_21 : vector<256x1xi1> to vector<256x1xi32>
    %convert_element_type3A_23 = arith.sitofp %convert_element_type3A_22 : vector<256x1xi32> to vector<256x1xf32>
    %convert_element_type3A_24 = arith.truncf %get3A_1 : vector<256x769xf32> to vector<256x769xbf16>
    %get3A_25 = arith.constant 0 : index
    %get3A_26 = arith.constant 0 : index
    %get3A_27 = vector.load %arg2[%get3A_25, %get3A_26] : memref<769x192xbf16, #tpu.memory_space<vmem>>, vector<769x192xbf16>
    %dot_general3A = arith.constant dense<0.000000e+00> : vector<256x192xf32>
    %dot_general3A_28 = tpu.matmul %convert_element_type3A_24, %get3A_27, %dot_general3A {dimension_numbers = #tpu.dot_dimension_numbers<[1], [0], [0], [1], [0, 0, 1, 1], [], []>, transpose_lhs_hint = false} : vector<256x769xbf16>, vector<769x192xbf16>, vector<256x192xf32> -> vector<256x192xf32>
    %get3A_29 = arith.constant 0 : index
    %get3A_30 = arith.constant 0 : index
    %get3A_31 = vector.load %arg3[%get3A_29, %get3A_30] : memref<1x192xf32, #tpu.memory_space<vmem>>, vector<1x192xf32>
    %add3A = vector.broadcast %get3A_31 : vector<1x192xf32> to vector<256x192xf32>
    %add3A_32 = arith.addf %dot_general3A_28, %add3A : vector<256x192xf32>
    %max3A = arith.constant 0.000000e+00 : f32
    %max3A_33 = vector.broadcast %max3A : f32 to vector<256x192xf32>
    %max3A_34 = arith.maximumf %add3A_32, %max3A_33 : vector<256x192xf32>
    %slice3A_35 = vector.extract_strided_slice %max3A_34 {offsets = [0, 0], sizes = [256, 64], strides = [1, 1]} : vector<256x192xf32> to vector<256x64xf32>
    %mul3A = vector.broadcast %convert_element_type3A_6 : vector<256x1xf32> to vector<256x64xf32>
    %mul3A_36 = arith.mulf %slice3A_35, %mul3A : vector<256x64xf32>
    %slice3A_37 = vector.extract_strided_slice %max3A_34 {offsets = [0, 64], sizes = [256, 64], strides = [1, 1]} : vector<256x192xf32> to vector<256x64xf32>
    %mul3A_38 = vector.broadcast %convert_element_type3A_15 : vector<256x1xf32> to vector<256x64xf32>
    %mul3A_39 = arith.mulf %slice3A_37, %mul3A_38 : vector<256x64xf32>
    %slice3A_40 = vector.extract_strided_slice %max3A_34 {offsets = [0, 128], sizes = [256, 64], strides = [1, 1]} : vector<256x192xf32> to vector<256x64xf32>
    %mul3A_41 = vector.broadcast %convert_element_type3A_23 : vector<256x1xf32> to vector<256x64xf32>
    %mul3A_42 = arith.mulf %slice3A_40, %mul3A_41 : vector<256x64xf32>
    %concatenate3A = tpu.concatenate %mul3A_36, %mul3A_39, %mul3A_42 in 1 : vector<256x64xf32>, vector<256x64xf32>, vector<256x64xf32> -> vector<256x192xf32>
    %convert_element_type3A_43 = arith.truncf %concatenate3A : vector<256x192xf32> to vector<256x192xbf16>
    %get3A_44 = arith.constant 0 : index
    %get3A_45 = arith.constant 0 : index
    %get3A_46 = vector.load %arg4[%get3A_44, %get3A_45] : memref<192x192xbf16, #tpu.memory_space<vmem>>, vector<192x192xbf16>
    %dot_general3A_47 = arith.constant dense<0.000000e+00> : vector<256x192xf32>
    %dot_general3A_48 = tpu.matmul %convert_element_type3A_43, %get3A_46, %dot_general3A_47 {dimension_numbers = #tpu.dot_dimension_numbers<[1], [0], [0], [1], [0, 0, 1, 1], [], []>, transpose_lhs_hint = false} : vector<256x192xbf16>, vector<192x192xbf16>, vector<256x192xf32> -> vector<256x192xf32>
    %get3A_49 = arith.constant 0 : index
    %get3A_50 = arith.constant 0 : index
    %get3A_51 = vector.load %arg5[%get3A_49, %get3A_50] : memref<1x192xf32, #tpu.memory_space<vmem>>, vector<1x192xf32>
    %add3A_52 = vector.broadcast %get3A_51 : vector<1x192xf32> to vector<256x192xf32>
    %add3A_53 = arith.addf %dot_general3A_48, %add3A_52 : vector<256x192xf32>
    %max3A_54 = arith.constant 0.000000e+00 : f32
    %max3A_55 = vector.broadcast %max3A_54 : f32 to vector<256x192xf32>
    %max3A_56 = arith.maximumf %add3A_53, %max3A_55 : vector<256x192xf32>
    %broadcast_in_dim3A = arith.constant 0.000000e+00 : f32
    %broadcast_in_dim3A_57 = vector.broadcast %broadcast_in_dim3A : f32 to vector<256x61xf32>
    %slice3A_58 = vector.extract_strided_slice %max3A_56 {offsets = [0, 0], sizes = [256, 64], strides = [1, 1]} : vector<256x192xf32> to vector<256x64xf32>
    %mul3A_59 = vector.broadcast %convert_element_type3A_6 : vector<256x1xf32> to vector<256x64xf32>
    %mul3A_60 = arith.mulf %slice3A_58, %mul3A_59 : vector<256x64xf32>
    %slice3A_61 = vector.extract_strided_slice %max3A_56 {offsets = [0, 64], sizes = [256, 64], strides = [1, 1]} : vector<256x192xf32> to vector<256x64xf32>
    %mul3A_62 = vector.broadcast %convert_element_type3A_15 : vector<256x1xf32> to vector<256x64xf32>
    %mul3A_63 = arith.mulf %slice3A_61, %mul3A_62 : vector<256x64xf32>
    %slice3A_64 = vector.extract_strided_slice %max3A_56 {offsets = [0, 128], sizes = [256, 64], strides = [1, 1]} : vector<256x192xf32> to vector<256x64xf32>
    %mul3A_65 = vector.broadcast %convert_element_type3A_23 : vector<256x1xf32> to vector<256x64xf32>
    %mul3A_66 = arith.mulf %slice3A_64, %mul3A_65 : vector<256x64xf32>
    %concatenate3A_67 = tpu.concatenate %mul3A_60, %mul3A_63, %mul3A_66, %convert_element_type3A_6, %convert_element_type3A_15, %convert_element_type3A_23, %broadcast_in_dim3A_57 in 1 : vector<256x64xf32>, vector<256x64xf32>, vector<256x64xf32>, vector<256x1xf32>, vector<256x1xf32>, vector<256x1xf32>, vector<256x61xf32> -> vector<256x256xf32>
    %convert_element_type3A_68 = arith.truncf %concatenate3A_67 : vector<256x256xf32> to vector<256x256xbf16>
    %get3A_69 = arith.constant 0 : index
    %get3A_70 = arith.constant 0 : index
    %get3A_71 = vector.load %arg6[%get3A_69, %get3A_70] : memref<256x2048xbf16, #tpu.memory_space<vmem>>, vector<256x2048xbf16>
    %dot_general3A_72 = arith.constant dense<0.000000e+00> : vector<256x2048xf32>
    %dot_general3A_73 = tpu.matmul %convert_element_type3A_68, %get3A_71, %dot_general3A_72 {dimension_numbers = #tpu.dot_dimension_numbers<[1], [0], [0], [1], [0, 0, 1, 1], [], []>, transpose_lhs_hint = false} : vector<256x256xbf16>, vector<256x2048xbf16>, vector<256x2048xf32> -> vector<256x2048xf32>
    %max3A_74 = arith.constant 0.000000e+00 : f32
    %max3A_75 = vector.broadcast %max3A_74 : f32 to vector<256x2048xf32>
    %max3A_76 = arith.maximumf %dot_general3A_73, %max3A_75 : vector<256x2048xf32>
    %reshape3A = vector.shape_cast %max3A_76 : vector<256x2048xf32> to vector<2048x256xf32>
    %convert_element_type3A_77 = arith.truncf %reshape3A : vector<2048x256xf32> to vector<2048x256xbf16>
    %get3A_78 = arith.constant 0 : index
    %get3A_79 = arith.constant 0 : index
    %get3A_80 = vector.load %arg7[%get3A_78, %get3A_79] : memref<256x256xbf16, #tpu.memory_space<vmem>>, vector<256x256xbf16>
    %dot_general3A_81 = arith.constant dense<0.000000e+00> : vector<2048x256xf32>
    %dot_general3A_82 = tpu.matmul %convert_element_type3A_77, %get3A_80, %dot_general3A_81 {dimension_numbers = #tpu.dot_dimension_numbers<[1], [0], [0], [1], [0, 0, 1, 1], [], []>, transpose_lhs_hint = false} : vector<2048x256xbf16>, vector<256x256xbf16>, vector<2048x256xf32> -> vector<2048x256xf32>
    %swap3A = arith.constant 0 : index
    %swap3A_83 = arith.constant 0 : index
    %swap3A_84 = vector.load %arg8[%swap3A, %swap3A_83] : memref<2048x256xf32, #tpu.memory_space<vmem>>, vector<2048x256xf32>
    tpu.vector_store %arg8[%swap3A, %swap3A_83], %dot_general3A_82 {strides = array<i32>} : memref<2048x256xf32, #tpu.memory_space<vmem>>, vector<2048x256xf32>,
    return
  }
  func.func @transform_0(%arg0: i32) -> (i32, i32) {
    %c0_i32 = arith.constant 0 : i32
    %c0_i32_0 = arith.constant 0 : i32
    return %arg0, %c0_i32 : i32, i32
  }
  func.func @transform_1(%arg0: i32) -> (i32, i32) {
    %c0_i32 = arith.constant 0 : i32
    %c0_i32_0 = arith.constant 0 : i32
    %c0_i32_1 = arith.constant 0 : i32
    return %c0_i32, %c0_i32_0 : i32, i32
  }
  func.func @transform_2(%arg0: i32) -> (i32, i32) {
    %c0_i32 = arith.constant 0 : i32
    %c0_i32_0 = arith.constant 0 : i32
    %c0_i32_1 = arith.constant 0 : i32
    return %c0_i32, %c0_i32_0 : i32, i32
  }
  func.func @transform_3(%arg0: i32) -> (i32, i32) {
    %c0_i32 = arith.constant 0 : i32
    %c0_i32_0 = arith.constant 0 : i32
    %c0_i32_1 = arith.constant 0 : i32
    return %c0_i32, %c0_i32_0 : i32, i32
  }
  func.func @transform_4(%arg0: i32) -> (i32, i32) {
    %c0_i32 = arith.constant 0 : i32
    %c0_i32_0 = arith.constant 0 : i32
    %c0_i32_1 = arith.constant 0 : i32
    return %c0_i32, %c0_i32_0 : i32, i32
  }
  func.func @transform_5(%arg0: i32) -> (i32, i32) {
    %c0_i32 = arith.constant 0 : i32
    %c0_i32_0 = arith.constant 0 : i32
    %c0_i32_1 = arith.constant 0 : i32
    return %c0_i32, %c0_i32_0 : i32, i32
  }
  func.func @transform_6(%arg0: i32) -> (i32, i32) {
    %c0_i32 = arith.constant 0 : i32
    %c0_i32_0 = arith.constant 0 : i32
    %c0_i32_1 = arith.constant 0 : i32
    return %c0_i32, %c0_i32_0 : i32, i32
  }
  func.func @transform_7(%arg0: i32) -> (i32, i32) {
    %c0_i32 = arith.constant 0 : i32
    %c0_i32_0 = arith.constant 0 : i32
    return %arg0, %c0_i32 : i32, i32
  }
}

</mosaic_0001>

<sc_bundles>
// kernel: sparse-core-data-format-call.cloned.1.call-start
scs
called_computation_lowered:
.L_overlay_start_0:
0x0: {  	s2 =	sld [smem:$0x3FD9]  }
0x1: {  	s3 =	sld [smem:$0x3FFE];
	_ =	sdelay $0x1  }
0x2: {  	s1 =	srdreg.scid  }
0x3: {  	s0 =	sand.u32 $0x1, s1  }
0x4: {  	s18 =	sshll.u32 s0, $0xA;
	s2 =	sadd.s32 s3, s2  }
0x5: {  	s2 =	sadd.s32 s2, s18  }
0x6: {  	[smem:$0x3FB5] =	sst s2  }
0x7: {  	_ = 	snop  }
0x8: {  	s2 =	sld [smem:$0x3FD0];
	(tm) =	ssettm $0x1  }
0x9: {  	s19 =	sld [smem:$0x3FFB];
	_ =	sdelay $0x3  }
0xa: {  	_ =	strace s19  }
0xb: {  	s3 =	sld [smem:$0x3FFC];
	_ =	sdelay $0x3  }
0xc: {  	_ =	strace s3  }
0xd: {  	s3 =	sld [smem:$0x3FFD];
	_ =	sdelay $0x3  }
0xe: {  	_ =	strace s3  }
0xf: {  	_ =	strace $0x8FFFFFFF  }
0x10: {  	s20 =	sld [smem:$0x3FDB];
	_ =	sdelay $0x1  }
0x11: {  	s4 =	simm.s32 $_scs_section_size  }
0x12: {  	s5 =	simm.s32 $_size__tile_overlayer_lowered;
	s6 =	simm.s32 $_tile_overlayer_lowered  }
0x13: {  	s23 =	simm.s32 $0x1BFF;
	s22 =	sshll.u32 s6, $0x1;
	s3 =	sadd.s32 s4, s20  }
0x14: {  	s7 =	simm.s32 $0x0;
	s21 =	sshll.u32 s5, $0x1;
	s5 =	sadd.s32 s22, s3  }
0x15: {  	[timem:s7], [sflag:s23] =	dma.local [hbm:s5], s21  }
0x16: {  	_ =	swait.ge [sflag:s23], s21  }
0x17: {  	s4 =	ssub.s32 $0x0, s21;
	[sflag:s23] =	ssyncset.done $0x0  }
0x18: {  	[sflag:s23] =	ssyncadd.s32 s4;
	_ =	sdelay $0x1  }
0x19: {  	s24 =	simm.s32 $0x1B8B  }
0x1a: {  	_ =	swait.ge [sflag:s24], $0x1  }
0x1b: {  	[sflag:s24] =	ssyncset.done $0x0  }
0x1c: {  	s26 =	simm.s32 $0x1B8E;
	s25 =	sld [smem:$0x3FFE];
	[sflag:s24] =	ssyncadd.s32 $0xFFFFFFFF  }
0x1d: {  	s27 =	simm.s32 $execute0_lowered;
	[smem:$0x3FD2] =	sst s26  }
0x1e: {  	s5 =	sshll.u32 s27, $0x1;
	_ =	strace $0x80000046;
	[dreg:$0x1] =	wrdreg $0xFFFFFFFF  }
0x1f: {  	s28 =	simm.s32 $_size_execute0_lowered;
	s3 =	sadd.s32 s3, s5;
	[dreg:$0x0] =	wrdreg $0x0  }
0x20: {  	s5 =	sshll.u32 s28, $0x1;
	[dreg:$0x2] =	wrdreg s3  }
0x21: {  	[dreg:$0x3] =	wrdreg s5  }
0x22: {  	[dreg:$0x4] =	wrdreg $0xC0  }
0x23: {  	_ =	task [dreg:s7], $0x5FFFF  }
0x24: {  	[dreg:$0x1] =	wrdreg $0xFFFFFFFF  }
0x25: {  	[dreg:$0x0] =	wrdreg $0x60  }
0x26: {  	[dreg:$0x2] =	wrdreg s25  }
0x27: {  	[dreg:$0x3] =	wrdreg s2  }
0x28: {  	[dreg:$0x4] =	wrdreg $0x9  }
0x29: {  	_ =	task.clear_ibuf [dreg:s7], $0x5FFFF;
	_ =	strace $0x90000046  }
0x2a: {  	s29 =	simm.s32 $0x9;
	_ =	strace $0x80000048  }
0x2b: {  	_ =	swait.ge [sflag:s29], $0x1  }
0x2c: {  	[sflag:s29] =	ssyncadd.s32 $0xFFFFFFFF  }
0x2d: {  	_ =	strace $0x90000048  }
0x2e: {  	_ =	sfence  }
0x2f: {  	s30 =	sld [smem:$0x0];
	_ =	sdelay $0x2  }
0x30: {  	s31 =	sshll.u32 s1, $0xD;
	s1 =	sshrl.u32 s1, $0x2  }
0x31: {  	s3 =	sand.u32 $0x4000, s31;
	s1 =	sadd.s32 s1, s30  }
0x32: {  	s0 =	sor.u32 s3, s0;
	s1 =	sshll.u32 s1, $0x11  }
0x33: {  	s0 =	sor.u32 s1, s0  }
0x34: {  	s0 =	sadd.s32 $0x8F2B, s0  }
0x35: {  	[sflag:s0] =	ssyncadd.remote.s32 $0x1  }
0x36: {  	_ =	sfence.sel $0xFFFF  }
0x37: {  	[dreg:$0x0] =	wrdreg $0xFFFFFFFF;
	(pc) =	sbr.abs _section_cstart, $3  }
0x38: {  	[dreg:$0x1] =	wrdreg $0xFFFFFFFF  }
0x39: {  	_ =	task.clear_ibuf [dreg:s7], $0x2FFFF;
	_ =	strace $0x9FFFFFFF  }
0x3a: {  	(tm) =	ssettm $0x7FFFFFFF  }
0x3b: {  	_ =	shalt  }
tec
execute0_lowered:
.L_overlay_start_1:
0x0: {  	(tag) =	ssettag $0x1  }
0x1: {  	s0 =	srdreg.scid  }
0x2: {  	s1 =	sshll.u32 s0, $0x4  }
0x3: {  	s6 =	rddreg [dreg:$0x0];
	s0 =	stileid.u32;
	s1 =	sand.u32 $0x10, s1  }
0x4: {  	s3 =	rddreg [dreg:$0x1];
	s5 =	simm.s32 $0x1;
	s1 =	sor.u32 s0, s1  }
0x5: {  	s31 =	simm.s32 $0x2;
	s12 =	simm.s32 $0x0;
	s2 =	sshll.u32 s1, $0x7  }
0x6: {  	s8 =	simm.s32 $0x10000;
	s13 =	simm.s32 $0x0;
	s4 =	ssub.s32 $0x2000, s2  }
0x7: {  	s9 =	simm.s32 $0x0;
	s11 =	simm.s32 $0x0;
	s30 =	sand.u32 $0xF80, s4  }
.Ltmp0:
0x8: {  	s6 =	sadd.s32 $0xA00, s6;
	p0 =	sne.s32 s30, $0x0;
	(pc) =	sbr.rel .LBB1_1-.Ltmp0, $4  }
0x9: {  	s1 =	rddreg [dreg:$0x2];
	s7 =	sshrl.u32 s4, $0xC;
	s5 =	simm.s32 @!p0 $0x0  }
0xa: {  	_ =	strace $0x80000047;
	s4 =	simm.s32 $0x1;
	s5 =	sadd.s32 s5, s7  }
0xb: {  	s10 =	smov.u32 s2;
	[sflag:s4] =	ssyncpa.u1 $0x0;
	s5 =	sshll.u32 s5, $0x5  }
0xc: {  	[sflag:s31] =	ssyncpa.u1 $0x0;
	p0 =	por $0x0, $0x0;
	s7 =	sor.u32 $0x1, s5  }
.LBB1_4:
0xd: {  	s16 =	sshll.u32 s13, $0x3;
	s17 =	sand.u32 $0x78, s13  }
0xe: {  	s30 =	sand.u32 $0xFC00, s13;
	s12 =	sshll.u32 s12, $0x10;
	s16 =	sand.u32 $0x1C00, s16  }
0xf: {  	[tilespmem:s15+$0x810 ss:$0x81] =	vst.msk $0xffff, v2;
	s31 =	sand.u32 $0x7, s13;
	s16 =	sor.u32 s17, s16;
	s17 =	sadd.s32 s3, s30  }
0x10: {  	[tilespmem:s15+$0x1020 ss:$0x81] =	vst.msk $0xffff, v0;
	s13 =	sshll.u32 s31, $0x12;
	s12 =	sadd.s32 s12, s17;
	s16 =	sshrl.u32 s16, $0x3  }
0x11: {  	[tilespmem:s15+$0x0 ss:$0x81] =	vst.msk $0xffff, v1;
	s13 =	sor.u32 $0x400, s13;
	s12 =	sadd.s32 s16, s12  }
0x12: {  	[hbm4b:s12+s13] =	stream.strided.scatter [tilespmem:s14], [sflag:$0x2], $0x2000, s8, s13, $0x20;
	[tilespmem:$0x8080] =	vst v63  }
.LBB1_5:
0x13: {  	s14 =	sadd.s32 $0x1, s9  }
0x14: {  	s12 =	sadd.s32 $0x1000, s10;
	s16 =	smov.u32 s10;
	p2 =	sgt.s32 s14, $0x1F  }
0x15: {  	s16 =	smov.u32 @p2 s12  }
0x16: {  	s14 =	simm.s32 @p2 $0x0;
	p2 =	sgt.s32 s16, $0x1FFF  }
0x17: {  	s16 =	smov.u32 @p2 s2;
	p2 =	sne.s32 s11, s7  }
.Ltmp1:
0x18: {  	p1 =	slt.u32 s11, $0x2;
	(pc) =	sbr.rel @!p2 .LBB1_6-.Ltmp1, $4  }
0x19: {  	s15 =	simm.s32 @!p1 $0x2  }
0x1a: {  	s13 =	smov.u32 s10;
	p0 =	por !p0, !p0;
	_ =	swait.ge @!p1 [sflag:s15], $0x2000  }
0x1b: {  	s12 =	smov.u32 s9;
	[sflag:s15] =	ssyncset.done @!p1 $0x0;
	s9 =	smov.u32 s14  }
0x1c: {  	s11 =	sadd.s32 $0x1, s11;
	[sflag:s15] =	ssyncadd.s32 @!p1 $0xFFFFE000;
	s10 =	smov.u32 s16  }
.LBB1_1:
0x1d: {  	p1 =	sge.u32 s11, s5  }
0x1e: {  	s31 =	sadd.s32 $0xFFFFFFFF, s11;
	s14 =	sxor.u32 @!p1 $0xFFFFFFFF, s11  }
0x1f: {  	s15 =	sshll.u32 @!p1 s10, $0x9;
	s16 =	sshll.u32 @!p1 s9, $0x4;
	s17 =	simm.s32 @!p1 $0x1000  }
0x20: {  	s14 =	sshll.u32 @!p1 s14, $0xD;
	s16 =	sand.u32 @!p1 $0x1F0, s16;
	s15 =	sadd.s32 @!p1 s6, s15  }
0x21: {  	s14 =	sand.u32 @!p1 $0x2000, s14;
	s15 =	sadd.s32 @!p1 s16, s15;
	s16 =	simm.s32 @!p1 $0x40  }
0x22: {  	[tilespmem:s14], [sflag:$0x1] =	stream.strided.gather @!p1 [hbm4b:s15+s16], $0x2000, s17, s16, $0x38;
	[tilespmem:$0x8080] =	vst v63  }
0x23: {  	p1 =	sge.u32 s31, s5  }
.Ltmp2:
0x24: {  	_ = 	snop;
	(pc) =	sbr.rel @p1 .LBB1_5-.Ltmp2, $1  }
0x25: {  	_ =	sdelay $0x3  }
0x26: {  	s14 =	simm.s32 $0x1  }
0x27: {  	_ =	swait.ge [sflag:s4], $0x2000;
	s14 =	simm.s32 @!p0 $0x0  }
0x28: {  	[sflag:s4] =	ssyncset.done $0x0;
	s15 =	sshll.u32 s14, $0xD  }
0x29: {  	[sflag:s4] =	ssyncadd.s32 $0xFFFFE000;
	s18 =	sor.u32 $0x20, s15  }
0x2a: {  	s14 =	smul.u32 $0x8100, s14;
	v3 =	vld [tilespmem:s18+$0x10]  }
0x2b: {  	s30 =	sand.u32 $0x1, s11;
	v2 =	vld [tilespmem:s18+$0xFFFFFFF0]  }
0x2c: {  	s15 =	smul.u32 $0x8100, s30;
	s14 =	sshrl.u32 s14, $0x2;
	v0 =	vld [tilespmem:s18+$0x0]  }
0x2d: {  	v1 =	vld [tilespmem:s18+$0xFFFFFFE0];
	s16 =	sor.u32 $0x4000, s14  }
0x2e: {  	s31 =	sshrl.u32 s15, $0x2;
	s15 =	sadd.s32 $0x0, s16  }
0x2f: {  	s17 =	simm.s32 $0x4;
	s18 =	sadd.s32 $0x40, s18;
	s14 =	sor.u32 $0x4000, s31;
	[tilespmem:s15+$0x1830 ss:$0x81] =	vst.msk $0xffff, v3  }
.LBB1_3:
0x30: {  	v3 =	vld [tilespmem:s18+$0x10];
	p1 =	sne.s32 s17, $0x1FC;
	[tilespmem:s15+$0x810 ss:$0x81] =	vst.msk $0xffff, v2;
	s19 =	smov.u32 s17;
	s17 =	sadd.s32 $0x4, s17  }
.Ltmp3:
0x31: {  	v2 =	vld [tilespmem:s18+$0xFFFFFFF0];
	[tilespmem:s15+$0x1020 ss:$0x81] =	vst.msk $0xffff, v0;
	(pc) =	sbr.rel @p1 .LBB1_3-.Ltmp3, $4  }
0x32: {  	v0 =	vld [tilespmem:s18+$0x0];
	[tilespmem:s15+$0x0 ss:$0x81] =	vst.msk $0xffff, v1  }
0x33: {  	s15 =	sshra.s32 s19, $0x2;
	v1 =	vld [tilespmem:s18+$0xFFFFFFE0]  }
0x34: {  	s15 =	sadd.s32 s15, s16  }
0x35: {  	s18 =	sadd.s32 $0x40, s18;
	[tilespmem:s15+$0x1830 ss:$0x81] =	vst.msk $0xffff, v3  }
.Ltmp4:
0x36: {  	_ = 	snop;
	(pc) =	sbr.rel .LBB1_4-.Ltmp4, $1  }
0x37: {  	_ =	sdelay $0x3  }
.LBB1_6:
0x38: {  	_ =	sfence.sel $0x180000  }
0x39: {  	s2 =	simm.s32 $0x1;
	[bflag:$0x0] =	sbarrier.arrive $0xFFFF  }
0x3a: {  	s31 =	simm.s32 $0x2;
	[sflag:s2] =	ssyncpa.u1 $0x1  }
0x3b: {  	[sflag:s31] =	ssyncpa.u1 $0x1  }
0x3c: {  	p0 =	sne.s32 s0, $0x0;
	_ =	strace $0x90000047  }
0x3d: {  	s0 =	sadd.s32 @!p0 $0x100000, s1;
	[bflag:$0x2] =	sbarrier.arrive $0xFFFF  }
0x3e: {  	[sflag:s0] =	ssyncadd.tile.s32 @!p0 $0x1;
	_ =	shalt  }
.Lfunc_end1:
_tile_overlayer_lowered:
.L_overlay_start_2:
0x3f: {  	(tag) =	ssettag $0x2  }
0x40: {  	s0 =	rddreg [dreg:$0x0];
	s2 =	stileid.u32  }
0x41: {  	s1 =	rddreg [dreg:$0x1];
	p0 =	sne.s32 s2, $0x0  }
0x42: {  	s3 =	rddreg [dreg:$0x2];
	[bflag:$0x3] =	sbarrier.arrive $0xFFFF;
	s2 =	simm.s32 @!p0 $0x1C01  }
0x43: {  	[timem:s3], [sflag:s2] =	dma.local @!p0 [hbm:s0], s1  }
0x44: {  	s0 =	simm.s32 @!p0 $0x1  }
0x45: {  	_ =	swait.ge @!p0 [sflag:s0], s1  }
0x46: {  	s1 =	ssub.s32 @!p0 $0x0, s1;
	[sflag:s0] =	ssyncset.done @!p0 $0x0  }
0x47: {  	[sflag:s0] =	ssyncadd.s32 @!p0 s1  }
0x48: {  	[bflag:$0x3] =	sbarrier.arrive $0xFFFF  }
0x49: {  	_ =	shalt  }

</sc_bundles>
